<compile_context>
chip_gen: v7x
topology: tpu7x:2x2x1
jax: 0.10.2.dev20260603
libtpu: 0.0.44.dev20260713+nightly
codegen_flags: <defaults>
</compile_context>

<pallas_src>
import functools

import jax
import jax.numpy as jnp
from jax import lax
from jax.experimental import pallas as pl
from jax.experimental.pallas import tpu as pltpu
from jax.experimental.pallas import tpu_sc as plsc

EMBED_DIM = 128
NC = 2
NS = 16
NW = NC * NS
CHUNK = 64
NBUF = 12
LEAD = 6


@functools.lru_cache(maxsize=None)
def _make_kernel(B: int, V: int):
    assert B % (NW * CHUNK) == 0
    n_chunks = B // (NW * CHUNK)
    assert n_chunks > NBUF
    mesh = plsc.VectorSubcoreMesh(core_axis_name="c", subcore_axis_name="s")

    @functools.partial(
        pl.kernel,
        mesh=mesh,
        out_type=jax.ShapeDtypeStruct((B, EMBED_DIM), jnp.float32),
        scratch_types=[
            pltpu.VMEM((n_chunks, CHUNK), jnp.int32),
            pltpu.VMEM((NBUF, CHUNK, EMBED_DIM), jnp.float32),
            pltpu.VMEM_SHARED((V, EMBED_DIM), jnp.float32),
            pltpu.SemaphoreType.DMA((NBUF,)),
            pltpu.SemaphoreType.DMA((NBUF,)),
        ],
    )
    def k(idx_hbm, table_hbm, out_hbm, idx_v, rows_v, table_sp, gsem, ssem):
        wid = lax.axis_index("s") * NC + lax.axis_index("c")
        @pl.when(lax.axis_index("s") == 0)
        def _():
            pltpu.sync_copy(table_hbm, table_sp)

        pltpu.sync_copy(idx_hbm.at[wid], idx_v)
        plsc.subcore_barrier()
        base = wid * n_chunks

        def fire_gather(j):
            b = j % NBUF
            pltpu.async_copy(table_sp.at[idx_v.at[j]], rows_v.at[b], gsem.at[b])

        def drain_gather(j):
            b = j % NBUF
            pltpu.make_async_copy(
                table_sp.at[idx_v.at[j]], rows_v.at[b], gsem.at[b]
            ).wait()

        def fire_scatter(j):
            b = j % NBUF
            pltpu.async_copy(
                rows_v.at[b], out_hbm.at[pl.ds((base + j) * CHUNK, CHUNK)], ssem.at[b]
            )

        def drain_scatter(j):
            b = j % NBUF
            pltpu.make_async_copy(
                rows_v.at[b], out_hbm.at[pl.ds((base + j) * CHUNK, CHUNK)], ssem.at[b]
            ).wait()

        for j0 in range(LEAD):
            fire_gather(j0)

        def body(j, carry):
            drain_gather(j)
            fire_scatter(j)
            @pl.when(j >= NBUF - LEAD)
            def _():
                drain_scatter(j - (NBUF - LEAD))

            @pl.when(j + LEAD < n_chunks)
            def _():
                fire_gather(j + LEAD)

            return carry

        lax.fori_loop(0, n_chunks, body, 0)
        for t in range(NBUF - LEAD):
            drain_scatter(n_chunks - (NBUF - LEAD) + t)

    return k


@jax.jit
def kernel(indices, species_table):
    B, H = indices.shape
    n = B * H
    idx3d = indices.T.reshape(NW, n // (NW * CHUNK), CHUNK).astype(jnp.int32)
    out = _make_kernel(n, species_table.shape[0])(idx3d, species_table)
    return out.reshape(H, B, EMBED_DIM).transpose(1, 0, 2)

# --- scband reference (transcript-rebuilt; emitter-appended) ---
"""Pipeline reference for scband-pok-emb-77962246357492 (READ-ONLY COPY).

The authoritative reference and input builder live on the scoring server;
editing this copy changes nothing except your own understanding.
"""

import jax, jax.numpy as jnp
import numpy as np

VOCAB = 1000
EMBED_DIM = 128
BATCH = 4096
HIST = 50

def setup_inputs(seed: int = 0) -> dict:
    key = jax.random.key(seed)
    k_idx, k_tab = jax.random.split(key)
    indices = jax.random.randint(k_idx, (BATCH, HIST), 0, VOCAB, dtype=jnp.int64 if jax.config.jax_enable_x64 else jnp.int32)
    # Pretrained species embedding table (frozen, as in nn.Embedding.from_pretrained)
    species_table = jax.random.normal(k_tab, (VOCAB, EMBED_DIM), dtype=jnp.float32)
    return {"indices": indices, "species_table": species_table}

def reference(indices, species_table):
    # PokEmb.forward_species: nn.Embedding lookup -> table[indices]
    return jnp.take(species_table, indices, axis=0)

if __name__ == "__main__":
    import jax
    _d = setup_inputs()
    print(jax.jit(kernel)(*tuple(_d.values())))

</pallas_src>

<mosaic_0001>
#map = affine_map<(d0, d1) -> (0, 0, 0)>
#map1 = affine_map<(d0, d1) -> (0, 0)>
module attributes {stable_mosaic.version = 14 : i64} {
  func.func @k(%arg0: i32, %arg1: i32, %arg2: memref<32x100x64xi32, #tpu.memory_space<hbm>>, %arg3: memref<1000x128xf32, #tpu.memory_space<hbm>>, %arg4: memref<204800x128xf32, #tpu.memory_space<hbm>>, %arg5: memref<100x64xi32, #tpu.memory_space<vmem>>, %arg6: memref<12x64x128xf32, #tpu.memory_space<vmem>>, %arg7: memref<1000x128xf32, #tpu.memory_space<vmem_shared>>, %arg8: memref<12x!tpu.dma_semaphore, #tpu.memory_space<semaphore_mem>>, %arg9: memref<12x!tpu.dma_semaphore, #tpu.memory_space<semaphore_mem>>) attributes {dimension_semantics = [#tpu.dimension_semantics<core_parallel>, #tpu.dimension_semantics<subcore_parallel>], iteration_bounds = array<i64: 2, 16>, scalar_prefetch = 0 : i64, scratch_operands = 5 : i64, tpu.core_type = #tpu.core_type<sc_vector_subcore>, window_params = [{transform_indices = #map}, {transform_indices = #map1}, {transform_indices = #map1}]} {
    %mul3A = arith.constant 2 : i32
    %mul3A_0 = arith.muli %arg1, %mul3A : i32
    %add3A = arith.addi %mul3A_0, %arg0 : i32
    %eq3A = arith.constant 0 : i32
    %eq3A_1 = arith.cmpi eq, %arg1, %eq3A : i32
    %convert_element_type3A = arith.extui %eq3A_1 : i1 to i32
    %cond3A = arith.constant 0 : i32
    %cond3A_2 = arith.cmpi ne, %convert_element_type3A, %cond3A : i32
    scf.if %cond3A_2 {
      "tpu.region"() ({
        %run_scoped3A = tpu.sem_alloc : memref<!tpu.dma_semaphore, #tpu.memory_space<semaphore_mem>>
        tpu.enqueue_dma source(%arg3 : memref<1000x128xf32, #tpu.memory_space<hbm>>) target(%arg7 : memref<1000x128xf32, #tpu.memory_space<vmem_shared>>) target_semaphore(%run_scoped3A : memref<!tpu.dma_semaphore, #tpu.memory_space<semaphore_mem>>)
        tpu.wait_dma2 semaphore(%run_scoped3A : memref<!tpu.dma_semaphore, #tpu.memory_space<semaphore_mem>>) src(%arg3 : memref<1000x128xf32, #tpu.memory_space<hbm>>) dst(%arg7 : memref<1000x128xf32, #tpu.memory_space<vmem_shared>>)
        tpu.yield
      }) : () -> ()
    } else {
    }
    "tpu.region"() ({
      %run_scoped3A = tpu.sem_alloc : memref<!tpu.dma_semaphore, #tpu.memory_space<semaphore_mem>>
      %dma_start3A_218 = arith.constant 0 : i32
      %dma_start3A_219 = arith.constant 0 : i32
      %dma_start3A_220 = tpu.memref_slice %arg2[%add3A, %dma_start3A_218, %dma_start3A_219] : memref<32x100x64xi32, #tpu.memory_space<hbm>> -> memref<1x100x64xi32, #tpu.memory_space<hbm>>
      %dma_start3A_221 = tpu.memref_squeeze %dma_start3A_220 : memref<1x100x64xi32, #tpu.memory_space<hbm>> -> memref<100x64xi32, #tpu.memory_space<hbm>>
      %dma_start3A_222 = arith.constant 0 : i32
      %dma_start3A_223 = arith.constant 0 : i32
      %dma_start3A_224 = tpu.memref_slice %arg2[%add3A, %dma_start3A_222, %dma_start3A_223] : memref<32x100x64xi32, #tpu.memory_space<hbm>> -> memref<1x100x64xi32, #tpu.memory_space<hbm>>
      %dma_start3A_225 = tpu.memref_squeeze %dma_start3A_224 : memref<1x100x64xi32, #tpu.memory_space<hbm>> -> memref<100x64xi32, #tpu.memory_space<hbm>>
      tpu.enqueue_dma source(%dma_start3A_225 : memref<100x64xi32, #tpu.memory_space<hbm>>) target(%arg5 : memref<100x64xi32, #tpu.memory_space<vmem>>) target_semaphore(%run_scoped3A : memref<!tpu.dma_semaphore, #tpu.memory_space<semaphore_mem>>)
      %dma_wait3A_226 = arith.constant 0 : i32
      %dma_wait3A_227 = arith.constant 0 : i32
      %dma_wait3A_228 = tpu.memref_slice %arg2[%add3A, %dma_wait3A_226, %dma_wait3A_227] : memref<32x100x64xi32, #tpu.memory_space<hbm>> -> memref<1x100x64xi32, #tpu.memory_space<hbm>>
      %dma_wait3A_229 = tpu.memref_squeeze %dma_wait3A_228 : memref<1x100x64xi32, #tpu.memory_space<hbm>> -> memref<100x64xi32, #tpu.memory_space<hbm>>
      %dma_wait3A_230 = arith.constant 0 : i32
      %dma_wait3A_231 = arith.constant 0 : i32
      %dma_wait3A_232 = tpu.memref_slice %arg2[%add3A, %dma_wait3A_230, %dma_wait3A_231] : memref<32x100x64xi32, #tpu.memory_space<hbm>> -> memref<1x100x64xi32, #tpu.memory_space<hbm>>
      %dma_wait3A_233 = tpu.memref_squeeze %dma_wait3A_232 : memref<1x100x64xi32, #tpu.memory_space<hbm>> -> memref<100x64xi32, #tpu.memory_space<hbm>>
      tpu.wait_dma2 semaphore(%run_scoped3A : memref<!tpu.dma_semaphore, #tpu.memory_space<semaphore_mem>>) src(%dma_wait3A_233 : memref<100x64xi32, #tpu.memory_space<hbm>>) dst(%arg5 : memref<100x64xi32, #tpu.memory_space<vmem>>)
      tpu.yield
    }) : () -> ()
    %barrier3A = arith.constant 0 : index
    tpu.barrier barrier_id(%barrier3A)
    %mul3A_3 = arith.constant 100 : i32
    %mul3A_4 = arith.muli %add3A, %mul3A_3 : i32
    %dma_start3A = arith.constant 0 : i32
    %dma_start3A_5 = arith.constant 0 : i32
    %dma_start3A_6 = arith.constant 0 : i32
    %dma_start3A_7 = arith.constant 0 : i32
    %dma_start3A_8 = arith.constant 0 : i32
    %dma_start3A_9 = tpu.memref_slice %arg6[%dma_start3A_5, %dma_start3A_7, %dma_start3A_8] : memref<12x64x128xf32, #tpu.memory_space<vmem>> -> memref<1x64x128xf32, #tpu.memory_space<vmem>>
    %dma_start3A_10 = tpu.memref_squeeze %dma_start3A_9 : memref<1x64x128xf32, #tpu.memory_space<vmem>> -> memref<64x128xf32, #tpu.memory_space<vmem>>
    %dma_start3A_11 = arith.constant 0 : i32
    %dma_start3A_12 = tpu.memref_slice %arg5[%dma_start3A, %dma_start3A_11] : memref<100x64xi32, #tpu.memory_space<vmem>> -> memref<1x64xi32, #tpu.memory_space<vmem>>
    %dma_start3A_13 = tpu.memref_squeeze %dma_start3A_12 : memref<1x64xi32, #tpu.memory_space<vmem>> -> memref<64xi32, #tpu.memory_space<vmem>>
    %dma_start3A_14 = arith.constant 0 : i32
    %dma_start3A_15 = arith.constant 0 : i32
    %dma_start3A_16 = tpu.memref_slice %arg7[%dma_start3A_14, %dma_start3A_15] : memref<1000x128xf32, #tpu.memory_space<vmem_shared>> -> memref<1000x128xf32, #tpu.memory_space<vmem_shared>>
    %dma_start3A_17 = tpu.memref_slice %arg8[%dma_start3A_6] : memref<12x!tpu.dma_semaphore, #tpu.memory_space<semaphore_mem>> -> memref<1x!tpu.dma_semaphore, #tpu.memory_space<semaphore_mem>>
    %dma_start3A_18 = tpu.memref_squeeze %dma_start3A_17 : memref<1x!tpu.dma_semaphore, #tpu.memory_space<semaphore_mem>> -> memref<!tpu.dma_semaphore, #tpu.memory_space<semaphore_mem>>
    tpu.enqueue_indirect_dma source(%dma_start3A_16 : memref<1000x128xf32, #tpu.memory_space<vmem_shared>>) target(%dma_start3A_10 : memref<64x128xf32, #tpu.memory_space<vmem>>) offsets(%dma_start3A_13 : memref<64xi32, #tpu.memory_space<vmem>>) semaphore(%dma_start3A_18 : memref<!tpu.dma_semaphore, #tpu.memory_space<semaphore_mem>>)
    %dma_start3A_19 = arith.constant 1 : i32
    %dma_start3A_20 = arith.constant 1 : i32
    %dma_start3A_21 = arith.constant 1 : i32
    %dma_start3A_22 = arith.constant 0 : i32
    %dma_start3A_23 = arith.constant 0 : i32
    %dma_start3A_24 = tpu.memref_slice %arg6[%dma_start3A_20, %dma_start3A_22, %dma_start3A_23] : memref<12x64x128xf32, #tpu.memory_space<vmem>> -> memref<1x64x128xf32, #tpu.memory_space<vmem>>
    %dma_start3A_25 = tpu.memref_squeeze %dma_start3A_24 : memref<1x64x128xf32, #tpu.memory_space<vmem>> -> memref<64x128xf32, #tpu.memory_space<vmem>>
    %dma_start3A_26 = arith.constant 0 : i32
    %dma_start3A_27 = tpu.memref_slice %arg5[%dma_start3A_19, %dma_start3A_26] : memref<100x64xi32, #tpu.memory_space<vmem>> -> memref<1x64xi32, #tpu.memory_space<vmem>>
    %dma_start3A_28 = tpu.memref_squeeze %dma_start3A_27 : memref<1x64xi32, #tpu.memory_space<vmem>> -> memref<64xi32, #tpu.memory_space<vmem>>
    %dma_start3A_29 = arith.constant 0 : i32
    %dma_start3A_30 = arith.constant 0 : i32
    %dma_start3A_31 = tpu.memref_slice %arg7[%dma_start3A_29, %dma_start3A_30] : memref<1000x128xf32, #tpu.memory_space<vmem_shared>> -> memref<1000x128xf32, #tpu.memory_space<vmem_shared>>
    %dma_start3A_32 = tpu.memref_slice %arg8[%dma_start3A_21] : memref<12x!tpu.dma_semaphore, #tpu.memory_space<semaphore_mem>> -> memref<1x!tpu.dma_semaphore, #tpu.memory_space<semaphore_mem>>
    %dma_start3A_33 = tpu.memref_squeeze %dma_start3A_32 : memref<1x!tpu.dma_semaphore, #tpu.memory_space<semaphore_mem>> -> memref<!tpu.dma_semaphore, #tpu.memory_space<semaphore_mem>>
    tpu.enqueue_indirect_dma source(%dma_start3A_31 : memref<1000x128xf32, #tpu.memory_space<vmem_shared>>) target(%dma_start3A_25 : memref<64x128xf32, #tpu.memory_space<vmem>>) offsets(%dma_start3A_28 : memref<64xi32, #tpu.memory_space<vmem>>) semaphore(%dma_start3A_33 : memref<!tpu.dma_semaphore, #tpu.memory_space<semaphore_mem>>)
    %dma_start3A_34 = arith.constant 2 : i32
    %dma_start3A_35 = arith.constant 2 : i32
    %dma_start3A_36 = arith.constant 2 : i32
    %dma_start3A_37 = arith.constant 0 : i32
    %dma_start3A_38 = arith.constant 0 : i32
    %dma_start3A_39 = tpu.memref_slice %arg6[%dma_start3A_35, %dma_start3A_37, %dma_start3A_38] : memref<12x64x128xf32, #tpu.memory_space<vmem>> -> memref<1x64x128xf32, #tpu.memory_space<vmem>>
    %dma_start3A_40 = tpu.memref_squeeze %dma_start3A_39 : memref<1x64x128xf32, #tpu.memory_space<vmem>> -> memref<64x128xf32, #tpu.memory_space<vmem>>
    %dma_start3A_41 = arith.constant 0 : i32
    %dma_start3A_42 = tpu.memref_slice %arg5[%dma_start3A_34, %dma_start3A_41] : memref<100x64xi32, #tpu.memory_space<vmem>> -> memref<1x64xi32, #tpu.memory_space<vmem>>
    %dma_start3A_43 = tpu.memref_squeeze %dma_start3A_42 : memref<1x64xi32, #tpu.memory_space<vmem>> -> memref<64xi32, #tpu.memory_space<vmem>>
    %dma_start3A_44 = arith.constant 0 : i32
    %dma_start3A_45 = arith.constant 0 : i32
    %dma_start3A_46 = tpu.memref_slice %arg7[%dma_start3A_44, %dma_start3A_45] : memref<1000x128xf32, #tpu.memory_space<vmem_shared>> -> memref<1000x128xf32, #tpu.memory_space<vmem_shared>>
    %dma_start3A_47 = tpu.memref_slice %arg8[%dma_start3A_36] : memref<12x!tpu.dma_semaphore, #tpu.memory_space<semaphore_mem>> -> memref<1x!tpu.dma_semaphore, #tpu.memory_space<semaphore_mem>>
    %dma_start3A_48 = tpu.memref_squeeze %dma_start3A_47 : memref<1x!tpu.dma_semaphore, #tpu.memory_space<semaphore_mem>> -> memref<!tpu.dma_semaphore, #tpu.memory_space<semaphore_mem>>
    tpu.enqueue_indirect_dma source(%dma_start3A_46 : memref<1000x128xf32, #tpu.memory_space<vmem_shared>>) target(%dma_start3A_40 : memref<64x128xf32, #tpu.memory_space<vmem>>) offsets(%dma_start3A_43 : memref<64xi32, #tpu.memory_space<vmem>>) semaphore(%dma_start3A_48 : memref<!tpu.dma_semaphore, #tpu.memory_space<semaphore_mem>>)
    %dma_start3A_49 = arith.constant 3 : i32
    %dma_start3A_50 = arith.constant 3 : i32
    %dma_start3A_51 = arith.constant 3 : i32
    %dma_start3A_52 = arith.constant 0 : i32
    %dma_start3A_53 = arith.constant 0 : i32
    %dma_start3A_54 = tpu.memref_slice %arg6[%dma_start3A_50, %dma_start3A_52, %dma_start3A_53] : memref<12x64x128xf32, #tpu.memory_space<vmem>> -> memref<1x64x128xf32, #tpu.memory_space<vmem>>
    %dma_start3A_55 = tpu.memref_squeeze %dma_start3A_54 : memref<1x64x128xf32, #tpu.memory_space<vmem>> -> memref<64x128xf32, #tpu.memory_space<vmem>>
    %dma_start3A_56 = arith.constant 0 : i32
    %dma_start3A_57 = tpu.memref_slice %arg5[%dma_start3A_49, %dma_start3A_56] : memref<100x64xi32, #tpu.memory_space<vmem>> -> memref<1x64xi32, #tpu.memory_space<vmem>>
    %dma_start3A_58 = tpu.memref_squeeze %dma_start3A_57 : memref<1x64xi32, #tpu.memory_space<vmem>> -> memref<64xi32, #tpu.memory_space<vmem>>
    %dma_start3A_59 = arith.constant 0 : i32
    %dma_start3A_60 = arith.constant 0 : i32
    %dma_start3A_61 = tpu.memref_slice %arg7[%dma_start3A_59, %dma_start3A_60] : memref<1000x128xf32, #tpu.memory_space<vmem_shared>> -> memref<1000x128xf32, #tpu.memory_space<vmem_shared>>
    %dma_start3A_62 = tpu.memref_slice %arg8[%dma_start3A_51] : memref<12x!tpu.dma_semaphore, #tpu.memory_space<semaphore_mem>> -> memref<1x!tpu.dma_semaphore, #tpu.memory_space<semaphore_mem>>
    %dma_start3A_63 = tpu.memref_squeeze %dma_start3A_62 : memref<1x!tpu.dma_semaphore, #tpu.memory_space<semaphore_mem>> -> memref<!tpu.dma_semaphore, #tpu.memory_space<semaphore_mem>>
    tpu.enqueue_indirect_dma source(%dma_start3A_61 : memref<1000x128xf32, #tpu.memory_space<vmem_shared>>) target(%dma_start3A_55 : memref<64x128xf32, #tpu.memory_space<vmem>>) offsets(%dma_start3A_58 : memref<64xi32, #tpu.memory_space<vmem>>) semaphore(%dma_start3A_63 : memref<!tpu.dma_semaphore, #tpu.memory_space<semaphore_mem>>)
    %dma_start3A_64 = arith.constant 4 : i32
    %dma_start3A_65 = arith.constant 4 : i32
    %dma_start3A_66 = arith.constant 4 : i32
    %dma_start3A_67 = arith.constant 0 : i32
    %dma_start3A_68 = arith.constant 0 : i32
    %dma_start3A_69 = tpu.memref_slice %arg6[%dma_start3A_65, %dma_start3A_67, %dma_start3A_68] : memref<12x64x128xf32, #tpu.memory_space<vmem>> -> memref<1x64x128xf32, #tpu.memory_space<vmem>>
    %dma_start3A_70 = tpu.memref_squeeze %dma_start3A_69 : memref<1x64x128xf32, #tpu.memory_space<vmem>> -> memref<64x128xf32, #tpu.memory_space<vmem>>
    %dma_start3A_71 = arith.constant 0 : i32
    %dma_start3A_72 = tpu.memref_slice %arg5[%dma_start3A_64, %dma_start3A_71] : memref<100x64xi32, #tpu.memory_space<vmem>> -> memref<1x64xi32, #tpu.memory_space<vmem>>
    %dma_start3A_73 = tpu.memref_squeeze %dma_start3A_72 : memref<1x64xi32, #tpu.memory_space<vmem>> -> memref<64xi32, #tpu.memory_space<vmem>>
    %dma_start3A_74 = arith.constant 0 : i32
    %dma_start3A_75 = arith.constant 0 : i32
    %dma_start3A_76 = tpu.memref_slice %arg7[%dma_start3A_74, %dma_start3A_75] : memref<1000x128xf32, #tpu.memory_space<vmem_shared>> -> memref<1000x128xf32, #tpu.memory_space<vmem_shared>>
    %dma_start3A_77 = tpu.memref_slice %arg8[%dma_start3A_66] : memref<12x!tpu.dma_semaphore, #tpu.memory_space<semaphore_mem>> -> memref<1x!tpu.dma_semaphore, #tpu.memory_space<semaphore_mem>>
    %dma_start3A_78 = tpu.memref_squeeze %dma_start3A_77 : memref<1x!tpu.dma_semaphore, #tpu.memory_space<semaphore_mem>> -> memref<!tpu.dma_semaphore, #tpu.memory_space<semaphore_mem>>
    tpu.enqueue_indirect_dma source(%dma_start3A_76 : memref<1000x128xf32, #tpu.memory_space<vmem_shared>>) target(%dma_start3A_70 : memref<64x128xf32, #tpu.memory_space<vmem>>) offsets(%dma_start3A_73 : memref<64xi32, #tpu.memory_space<vmem>>) semaphore(%dma_start3A_78 : memref<!tpu.dma_semaphore, #tpu.memory_space<semaphore_mem>>)
    %dma_start3A_79 = arith.constant 5 : i32
    %dma_start3A_80 = arith.constant 5 : i32
    %dma_start3A_81 = arith.constant 5 : i32
    %dma_start3A_82 = arith.constant 0 : i32
    %dma_start3A_83 = arith.constant 0 : i32
    %dma_start3A_84 = tpu.memref_slice %arg6[%dma_start3A_80, %dma_start3A_82, %dma_start3A_83] : memref<12x64x128xf32, #tpu.memory_space<vmem>> -> memref<1x64x128xf32, #tpu.memory_space<vmem>>
    %dma_start3A_85 = tpu.memref_squeeze %dma_start3A_84 : memref<1x64x128xf32, #tpu.memory_space<vmem>> -> memref<64x128xf32, #tpu.memory_space<vmem>>
    %dma_start3A_86 = arith.constant 0 : i32
    %dma_start3A_87 = tpu.memref_slice %arg5[%dma_start3A_79, %dma_start3A_86] : memref<100x64xi32, #tpu.memory_space<vmem>> -> memref<1x64xi32, #tpu.memory_space<vmem>>
    %dma_start3A_88 = tpu.memref_squeeze %dma_start3A_87 : memref<1x64xi32, #tpu.memory_space<vmem>> -> memref<64xi32, #tpu.memory_space<vmem>>
    %dma_start3A_89 = arith.constant 0 : i32
    %dma_start3A_90 = arith.constant 0 : i32
    %dma_start3A_91 = tpu.memref_slice %arg7[%dma_start3A_89, %dma_start3A_90] : memref<1000x128xf32, #tpu.memory_space<vmem_shared>> -> memref<1000x128xf32, #tpu.memory_space<vmem_shared>>
    %dma_start3A_92 = tpu.memref_slice %arg8[%dma_start3A_81] : memref<12x!tpu.dma_semaphore, #tpu.memory_space<semaphore_mem>> -> memref<1x!tpu.dma_semaphore, #tpu.memory_space<semaphore_mem>>
    %dma_start3A_93 = tpu.memref_squeeze %dma_start3A_92 : memref<1x!tpu.dma_semaphore, #tpu.memory_space<semaphore_mem>> -> memref<!tpu.dma_semaphore, #tpu.memory_space<semaphore_mem>>
    tpu.enqueue_indirect_dma source(%dma_start3A_91 : memref<1000x128xf32, #tpu.memory_space<vmem_shared>>) target(%dma_start3A_85 : memref<64x128xf32, #tpu.memory_space<vmem>>) offsets(%dma_start3A_88 : memref<64xi32, #tpu.memory_space<vmem>>) semaphore(%dma_start3A_93 : memref<!tpu.dma_semaphore, #tpu.memory_space<semaphore_mem>>)
    %scan3A = arith.constant 0 : i32
    %scan3A_94 = arith.constant 0 : i32
    %scan3A_95 = arith.constant 100 : i32
    %scan3A_96 = arith.addi %scan3A_94, %scan3A_95 : i32
    %scan3A_97 = arith.constant 1 : i32
    scf.for %scan3A_218 = %scan3A_94 to %scan3A_96 step %scan3A_97  : i32 {
      %jit3A = arith.constant 12 : i32
      %eq3A_219 = arith.constant 0 : i32
      %eq3A_220 = arith.cmpi eq, %jit3A, %eq3A_219 : i32
      %jit3A_221 = arith.constant 1 : i32
      %select_n3A = arith.select %eq3A_220, %jit3A_221, %jit3A : i32
      %rem3A = arith.remsi %scan3A_218, %select_n3A : i32
      %ne3A = arith.constant 0 : i32
      %ne3A_222 = arith.cmpi ne, %rem3A, %ne3A : i32
      %lt3A = arith.constant 0 : i32
      %lt3A_223 = arith.cmpi slt, %rem3A, %lt3A : i32
      %lt3A_224 = arith.constant 0 : i32
      %lt3A_225 = arith.cmpi slt, %select_n3A, %lt3A_224 : i32
      %ne3A_226 = arith.xori %lt3A_223, %lt3A_225 : i1
      %and3A = arith.andi %ne3A_226, %ne3A_222 : i1
      %add3A_227 = arith.addi %rem3A, %select_n3A : i32
      %select_n3A_228 = arith.select %and3A, %add3A_227, %rem3A : i32
      %dma_wait3A_229 = arith.constant 0 : i32
      %dma_wait3A_230 = arith.constant 0 : i32
      %dma_wait3A_231 = tpu.memref_slice %arg6[%select_n3A_228, %dma_wait3A_229, %dma_wait3A_230] : memref<12x64x128xf32, #tpu.memory_space<vmem>> -> memref<1x64x128xf32, #tpu.memory_space<vmem>>
      %dma_wait3A_232 = tpu.memref_squeeze %dma_wait3A_231 : memref<1x64x128xf32, #tpu.memory_space<vmem>> -> memref<64x128xf32, #tpu.memory_space<vmem>>
      %dma_wait3A_233 = arith.constant 0 : i32
      %dma_wait3A_234 = tpu.memref_slice %arg5[%scan3A_218, %dma_wait3A_233] : memref<100x64xi32, #tpu.memory_space<vmem>> -> memref<1x64xi32, #tpu.memory_space<vmem>>
      %dma_wait3A_235 = tpu.memref_squeeze %dma_wait3A_234 : memref<1x64xi32, #tpu.memory_space<vmem>> -> memref<64xi32, #tpu.memory_space<vmem>>
      %dma_wait3A_236 = arith.constant 0 : i32
      %dma_wait3A_237 = arith.constant 0 : i32
      %dma_wait3A_238 = tpu.memref_slice %arg7[%dma_wait3A_236, %dma_wait3A_237] : memref<1000x128xf32, #tpu.memory_space<vmem_shared>> -> memref<1000x128xf32, #tpu.memory_space<vmem_shared>>
      %dma_wait3A_239 = tpu.memref_slice %arg8[%select_n3A_228] : memref<12x!tpu.dma_semaphore, #tpu.memory_space<semaphore_mem>> -> memref<1x!tpu.dma_semaphore, #tpu.memory_space<semaphore_mem>>
      %dma_wait3A_240 = tpu.memref_squeeze %dma_wait3A_239 : memref<1x!tpu.dma_semaphore, #tpu.memory_space<semaphore_mem>> -> memref<!tpu.dma_semaphore, #tpu.memory_space<semaphore_mem>>
      tpu.wait_indirect_dma semaphore(%dma_wait3A_240 : memref<!tpu.dma_semaphore, #tpu.memory_space<semaphore_mem>>) src(%dma_wait3A_238 : memref<1000x128xf32, #tpu.memory_space<vmem_shared>>) dst(%dma_wait3A_232 : memref<64x128xf32, #tpu.memory_space<vmem>>)
      %jit3A_241 = arith.constant 12 : i32
      %eq3A_242 = arith.constant 0 : i32
      %eq3A_243 = arith.cmpi eq, %jit3A_241, %eq3A_242 : i32
      %jit3A_244 = arith.constant 1 : i32
      %select_n3A_245 = arith.select %eq3A_243, %jit3A_244, %jit3A_241 : i32
      %rem3A_246 = arith.remsi %scan3A_218, %select_n3A_245 : i32
      %ne3A_247 = arith.constant 0 : i32
      %ne3A_248 = arith.cmpi ne, %rem3A_246, %ne3A_247 : i32
      %lt3A_249 = arith.constant 0 : i32
      %lt3A_250 = arith.cmpi slt, %rem3A_246, %lt3A_249 : i32
      %lt3A_251 = arith.constant 0 : i32
      %lt3A_252 = arith.cmpi slt, %select_n3A_245, %lt3A_251 : i32
      %ne3A_253 = arith.xori %lt3A_250, %lt3A_252 : i1
      %and3A_254 = arith.andi %ne3A_253, %ne3A_248 : i1
      %add3A_255 = arith.addi %rem3A_246, %select_n3A_245 : i32
      %select_n3A_256 = arith.select %and3A_254, %add3A_255, %rem3A_246 : i32
      %add3A_257 = arith.addi %mul3A_4, %scan3A_218 : i32
      %mul3A_258 = arith.constant 64 : i32
      %mul3A_259 = arith.muli %add3A_257, %mul3A_258 : i32
      %dma_start3A_260 = arith.constant 0 : i32
      %dma_start3A_261 = arith.constant 0 : i32
      %dma_start3A_262 = tpu.memref_slice %arg6[%select_n3A_256, %dma_start3A_260, %dma_start3A_261] : memref<12x64x128xf32, #tpu.memory_space<vmem>> -> memref<1x64x128xf32, #tpu.memory_space<vmem>>
      %dma_start3A_263 = tpu.memref_squeeze %dma_start3A_262 : memref<1x64x128xf32, #tpu.memory_space<vmem>> -> memref<64x128xf32, #tpu.memory_space<vmem>>
      %dma_start3A_264 = arith.constant 0 : i32
      %dma_start3A_265 = tpu.memref_slice %arg4[%mul3A_259, %dma_start3A_264] : memref<204800x128xf32, #tpu.memory_space<hbm>> -> memref<64x128xf32, #tpu.memory_space<hbm>>
      %dma_start3A_266 = tpu.memref_slice %arg9[%select_n3A_256] : memref<12x!tpu.dma_semaphore, #tpu.memory_space<semaphore_mem>> -> memref<1x!tpu.dma_semaphore, #tpu.memory_space<semaphore_mem>>
      %dma_start3A_267 = tpu.memref_squeeze %dma_start3A_266 : memref<1x!tpu.dma_semaphore, #tpu.memory_space<semaphore_mem>> -> memref<!tpu.dma_semaphore, #tpu.memory_space<semaphore_mem>>
      %dma_start3A_268 = arith.constant 0 : i32
      %dma_start3A_269 = tpu.memref_slice %arg4[%mul3A_259, %dma_start3A_268] : memref<204800x128xf32, #tpu.memory_space<hbm>> -> memref<64x128xf32, #tpu.memory_space<hbm>>
      %dma_start3A_270 = arith.constant 0 : i32
      %dma_start3A_271 = arith.constant 0 : i32
      %dma_start3A_272 = tpu.memref_slice %arg6[%select_n3A_256, %dma_start3A_270, %dma_start3A_271] : memref<12x64x128xf32, #tpu.memory_space<vmem>> -> memref<1x64x128xf32, #tpu.memory_space<vmem>>
      %dma_start3A_273 = tpu.memref_squeeze %dma_start3A_272 : memref<1x64x128xf32, #tpu.memory_space<vmem>> -> memref<64x128xf32, #tpu.memory_space<vmem>>
      tpu.enqueue_dma source(%dma_start3A_273 : memref<64x128xf32, #tpu.memory_space<vmem>>) target(%dma_start3A_269 : memref<64x128xf32, #tpu.memory_space<hbm>>) target_semaphore(%dma_start3A_267 : memref<!tpu.dma_semaphore, #tpu.memory_space<semaphore_mem>>)
      %ge3A = arith.constant 6 : i32
      %ge3A_274 = arith.cmpi sge, %scan3A_218, %ge3A : i32
      %convert_element_type3A_275 = arith.extui %ge3A_274 : i1 to i32
      %cond3A_276 = arith.constant 0 : i32
      %cond3A_277 = arith.cmpi ne, %convert_element_type3A_275, %cond3A_276 : i32
      scf.if %cond3A_277 {
        %sub3A = arith.constant 6 : i32
        %sub3A_285 = arith.subi %scan3A_218, %sub3A : i32
        %jit3A_286 = arith.constant 12 : i32
        %eq3A_287 = arith.constant 0 : i32
        %eq3A_288 = arith.cmpi eq, %jit3A_286, %eq3A_287 : i32
        %jit3A_289 = arith.constant 1 : i32
        %select_n3A_290 = arith.select %eq3A_288, %jit3A_289, %jit3A_286 : i32
        %rem3A_291 = arith.remsi %sub3A_285, %select_n3A_290 : i32
        %ne3A_292 = arith.constant 0 : i32
        %ne3A_293 = arith.cmpi ne, %rem3A_291, %ne3A_292 : i32
        %lt3A_294 = arith.constant 0 : i32
        %lt3A_295 = arith.cmpi slt, %rem3A_291, %lt3A_294 : i32
        %lt3A_296 = arith.constant 0 : i32
        %lt3A_297 = arith.cmpi slt, %select_n3A_290, %lt3A_296 : i32
        %ne3A_298 = arith.xori %lt3A_295, %lt3A_297 : i1
        %and3A_299 = arith.andi %ne3A_298, %ne3A_293 : i1
        %add3A_300 = arith.addi %rem3A_291, %select_n3A_290 : i32
        %select_n3A_301 = arith.select %and3A_299, %add3A_300, %rem3A_291 : i32
        %add3A_302 = arith.addi %mul3A_4, %sub3A_285 : i32
        %mul3A_303 = arith.constant 64 : i32
        %mul3A_304 = arith.muli %add3A_302, %mul3A_303 : i32
        %dma_wait3A_305 = arith.constant 0 : i32
        %dma_wait3A_306 = arith.constant 0 : i32
        %dma_wait3A_307 = tpu.memref_slice %arg6[%select_n3A_301, %dma_wait3A_305, %dma_wait3A_306] : memref<12x64x128xf32, #tpu.memory_space<vmem>> -> memref<1x64x128xf32, #tpu.memory_space<vmem>>
        %dma_wait3A_308 = tpu.memref_squeeze %dma_wait3A_307 : memref<1x64x128xf32, #tpu.memory_space<vmem>> -> memref<64x128xf32, #tpu.memory_space<vmem>>
        %dma_wait3A_309 = arith.constant 0 : i32
        %dma_wait3A_310 = tpu.memref_slice %arg4[%mul3A_304, %dma_wait3A_309] : memref<204800x128xf32, #tpu.memory_space<hbm>> -> memref<64x128xf32, #tpu.memory_space<hbm>>
        %dma_wait3A_311 = tpu.memref_slice %arg9[%select_n3A_301] : memref<12x!tpu.dma_semaphore, #tpu.memory_space<semaphore_mem>> -> memref<1x!tpu.dma_semaphore, #tpu.memory_space<semaphore_mem>>
        %dma_wait3A_312 = tpu.memref_squeeze %dma_wait3A_311 : memref<1x!tpu.dma_semaphore, #tpu.memory_space<semaphore_mem>> -> memref<!tpu.dma_semaphore, #tpu.memory_space<semaphore_mem>>
        %dma_wait3A_313 = arith.constant 0 : i32
        %dma_wait3A_314 = tpu.memref_slice %arg4[%mul3A_304, %dma_wait3A_313] : memref<204800x128xf32, #tpu.memory_space<hbm>> -> memref<64x128xf32, #tpu.memory_space<hbm>>
        %dma_wait3A_315 = arith.constant 0 : i32
        %dma_wait3A_316 = arith.constant 0 : i32
        %dma_wait3A_317 = tpu.memref_slice %arg6[%select_n3A_301, %dma_wait3A_315, %dma_wait3A_316] : memref<12x64x128xf32, #tpu.memory_space<vmem>> -> memref<1x64x128xf32, #tpu.memory_space<vmem>>
        %dma_wait3A_318 = tpu.memref_squeeze %dma_wait3A_317 : memref<1x64x128xf32, #tpu.memory_space<vmem>> -> memref<64x128xf32, #tpu.memory_space<vmem>>
        tpu.wait_dma2 semaphore(%dma_wait3A_312 : memref<!tpu.dma_semaphore, #tpu.memory_space<semaphore_mem>>) src(%dma_wait3A_318 : memref<64x128xf32, #tpu.memory_space<vmem>>) dst(%dma_wait3A_314 : memref<64x128xf32, #tpu.memory_space<hbm>>)
      } else {
      }
      %add3A_278 = arith.constant 6 : i32
      %add3A_279 = arith.addi %scan3A_218, %add3A_278 : i32
      %lt3A_280 = arith.constant 100 : i32
      %lt3A_281 = arith.cmpi slt, %add3A_279, %lt3A_280 : i32
      %convert_element_type3A_282 = arith.extui %lt3A_281 : i1 to i32
      %cond3A_283 = arith.constant 0 : i32
      %cond3A_284 = arith.cmpi ne, %convert_element_type3A_282, %cond3A_283 : i32
      scf.if %cond3A_284 {
        %add3A_285 = arith.constant 6 : i32
        %add3A_286 = arith.addi %scan3A_218, %add3A_285 : i32
        %jit3A_287 = arith.constant 12 : i32
        %eq3A_288 = arith.constant 0 : i32
        %eq3A_289 = arith.cmpi eq, %jit3A_287, %eq3A_288 : i32
        %jit3A_290 = arith.constant 1 : i32
        %select_n3A_291 = arith.select %eq3A_289, %jit3A_290, %jit3A_287 : i32
        %rem3A_292 = arith.remsi %add3A_286, %select_n3A_291 : i32
        %ne3A_293 = arith.constant 0 : i32
        %ne3A_294 = arith.cmpi ne, %rem3A_292, %ne3A_293 : i32
        %lt3A_295 = arith.constant 0 : i32
        %lt3A_296 = arith.cmpi slt, %rem3A_292, %lt3A_295 : i32
        %lt3A_297 = arith.constant 0 : i32
        %lt3A_298 = arith.cmpi slt, %select_n3A_291, %lt3A_297 : i32
        %ne3A_299 = arith.xori %lt3A_296, %lt3A_298 : i1
        %and3A_300 = arith.andi %ne3A_299, %ne3A_294 : i1
        %add3A_301 = arith.addi %rem3A_292, %select_n3A_291 : i32
        %select_n3A_302 = arith.select %and3A_300, %add3A_301, %rem3A_292 : i32
        %dma_start3A_303 = arith.constant 0 : i32
        %dma_start3A_304 = arith.constant 0 : i32
        %dma_start3A_305 = tpu.memref_slice %arg6[%select_n3A_302, %dma_start3A_303, %dma_start3A_304] : memref<12x64x128xf32, #tpu.memory_space<vmem>> -> memref<1x64x128xf32, #tpu.memory_space<vmem>>
        %dma_start3A_306 = tpu.memref_squeeze %dma_start3A_305 : memref<1x64x128xf32, #tpu.memory_space<vmem>> -> memref<64x128xf32, #tpu.memory_space<vmem>>
        %dma_start3A_307 = arith.constant 0 : i32
        %dma_start3A_308 = tpu.memref_slice %arg5[%add3A_286, %dma_start3A_307] : memref<100x64xi32, #tpu.memory_space<vmem>> -> memref<1x64xi32, #tpu.memory_space<vmem>>
        %dma_start3A_309 = tpu.memref_squeeze %dma_start3A_308 : memref<1x64xi32, #tpu.memory_space<vmem>> -> memref<64xi32, #tpu.memory_space<vmem>>
        %dma_start3A_310 = arith.constant 0 : i32
        %dma_start3A_311 = arith.constant 0 : i32
        %dma_start3A_312 = tpu.memref_slice %arg7[%dma_start3A_310, %dma_start3A_311] : memref<1000x128xf32, #tpu.memory_space<vmem_shared>> -> memref<1000x128xf32, #tpu.memory_space<vmem_shared>>
        %dma_start3A_313 = tpu.memref_slice %arg8[%select_n3A_302] : memref<12x!tpu.dma_semaphore, #tpu.memory_space<semaphore_mem>> -> memref<1x!tpu.dma_semaphore, #tpu.memory_space<semaphore_mem>>
        %dma_start3A_314 = tpu.memref_squeeze %dma_start3A_313 : memref<1x!tpu.dma_semaphore, #tpu.memory_space<semaphore_mem>> -> memref<!tpu.dma_semaphore, #tpu.memory_space<semaphore_mem>>
        tpu.enqueue_indirect_dma source(%dma_start3A_312 : memref<1000x128xf32, #tpu.memory_space<vmem_shared>>) target(%dma_start3A_306 : memref<64x128xf32, #tpu.memory_space<vmem>>) offsets(%dma_start3A_309 : memref<64xi32, #tpu.memory_space<vmem>>) semaphore(%dma_start3A_314 : memref<!tpu.dma_semaphore, #tpu.memory_space<semaphore_mem>>)
      } else {
      }
    }
    %scan3A_98 = arith.constant 100 : i32
    %add3A_99 = arith.constant 94 : i32
    %add3A_100 = arith.addi %mul3A_4, %add3A_99 : i32
    %mul3A_101 = arith.constant 64 : i32
    %mul3A_102 = arith.muli %add3A_100, %mul3A_101 : i32
    %dma_wait3A = arith.constant 10 : i32
    %dma_wait3A_103 = arith.constant 10 : i32
    %dma_wait3A_104 = arith.constant 0 : i32
    %dma_wait3A_105 = arith.constant 0 : i32
    %dma_wait3A_106 = tpu.memref_slice %arg6[%dma_wait3A, %dma_wait3A_104, %dma_wait3A_105] : memref<12x64x128xf32, #tpu.memory_space<vmem>> -> memref<1x64x128xf32, #tpu.memory_space<vmem>>
    %dma_wait3A_107 = tpu.memref_squeeze %dma_wait3A_106 : memref<1x64x128xf32, #tpu.memory_space<vmem>> -> memref<64x128xf32, #tpu.memory_space<vmem>>
    %dma_wait3A_108 = arith.constant 0 : i32
    %dma_wait3A_109 = tpu.memref_slice %arg4[%mul3A_102, %dma_wait3A_108] : memref<204800x128xf32, #tpu.memory_space<hbm>> -> memref<64x128xf32, #tpu.memory_space<hbm>>
    %dma_wait3A_110 = tpu.memref_slice %arg9[%dma_wait3A_103] : memref<12x!tpu.dma_semaphore, #tpu.memory_space<semaphore_mem>> -> memref<1x!tpu.dma_semaphore, #tpu.memory_space<semaphore_mem>>
    %dma_wait3A_111 = tpu.memref_squeeze %dma_wait3A_110 : memref<1x!tpu.dma_semaphore, #tpu.memory_space<semaphore_mem>> -> memref<!tpu.dma_semaphore, #tpu.memory_space<semaphore_mem>>
    %dma_wait3A_112 = arith.constant 0 : i32
    %dma_wait3A_113 = tpu.memref_slice %arg4[%mul3A_102, %dma_wait3A_112] : memref<204800x128xf32, #tpu.memory_space<hbm>> -> memref<64x128xf32, #tpu.memory_space<hbm>>
    %dma_wait3A_114 = arith.constant 0 : i32
    %dma_wait3A_115 = arith.constant 0 : i32
    %dma_wait3A_116 = tpu.memref_slice %arg6[%dma_wait3A, %dma_wait3A_114, %dma_wait3A_115] : memref<12x64x128xf32, #tpu.memory_space<vmem>> -> memref<1x64x128xf32, #tpu.memory_space<vmem>>
    %dma_wait3A_117 = tpu.memref_squeeze %dma_wait3A_116 : memref<1x64x128xf32, #tpu.memory_space<vmem>> -> memref<64x128xf32, #tpu.memory_space<vmem>>
    tpu.wait_dma2 semaphore(%dma_wait3A_111 : memref<!tpu.dma_semaphore, #tpu.memory_space<semaphore_mem>>) src(%dma_wait3A_117 : memref<64x128xf32, #tpu.memory_space<vmem>>) dst(%dma_wait3A_113 : memref<64x128xf32, #tpu.memory_space<hbm>>)
    %add3A_118 = arith.constant 95 : i32
    %add3A_119 = arith.addi %mul3A_4, %add3A_118 : i32
    %mul3A_120 = arith.constant 64 : i32
    %mul3A_121 = arith.muli %add3A_119, %mul3A_120 : i32
    %dma_wait3A_122 = arith.constant 11 : i32
    %dma_wait3A_123 = arith.constant 11 : i32
    %dma_wait3A_124 = arith.constant 0 : i32
    %dma_wait3A_125 = arith.constant 0 : i32
    %dma_wait3A_126 = tpu.memref_slice %arg6[%dma_wait3A_122, %dma_wait3A_124, %dma_wait3A_125] : memref<12x64x128xf32, #tpu.memory_space<vmem>> -> memref<1x64x128xf32, #tpu.memory_space<vmem>>
    %dma_wait3A_127 = tpu.memref_squeeze %dma_wait3A_126 : memref<1x64x128xf32, #tpu.memory_space<vmem>> -> memref<64x128xf32, #tpu.memory_space<vmem>>
    %dma_wait3A_128 = arith.constant 0 : i32
    %dma_wait3A_129 = tpu.memref_slice %arg4[%mul3A_121, %dma_wait3A_128] : memref<204800x128xf32, #tpu.memory_space<hbm>> -> memref<64x128xf32, #tpu.memory_space<hbm>>
    %dma_wait3A_130 = tpu.memref_slice %arg9[%dma_wait3A_123] : memref<12x!tpu.dma_semaphore, #tpu.memory_space<semaphore_mem>> -> memref<1x!tpu.dma_semaphore, #tpu.memory_space<semaphore_mem>>
    %dma_wait3A_131 = tpu.memref_squeeze %dma_wait3A_130 : memref<1x!tpu.dma_semaphore, #tpu.memory_space<semaphore_mem>> -> memref<!tpu.dma_semaphore, #tpu.memory_space<semaphore_mem>>
    %dma_wait3A_132 = arith.constant 0 : i32
    %dma_wait3A_133 = tpu.memref_slice %arg4[%mul3A_121, %dma_wait3A_132] : memref<204800x128xf32, #tpu.memory_space<hbm>> -> memref<64x128xf32, #tpu.memory_space<hbm>>
    %dma_wait3A_134 = arith.constant 0 : i32
    %dma_wait3A_135 = arith.constant 0 : i32
    %dma_wait3A_136 = tpu.memref_slice %arg6[%dma_wait3A_122, %dma_wait3A_134, %dma_wait3A_135] : memref<12x64x128xf32, #tpu.memory_space<vmem>> -> memref<1x64x128xf32, #tpu.memory_space<vmem>>
    %dma_wait3A_137 = tpu.memref_squeeze %dma_wait3A_136 : memref<1x64x128xf32, #tpu.memory_space<vmem>> -> memref<64x128xf32, #tpu.memory_space<vmem>>
    tpu.wait_dma2 semaphore(%dma_wait3A_131 : memref<!tpu.dma_semaphore, #tpu.memory_space<semaphore_mem>>) src(%dma_wait3A_137 : memref<64x128xf32, #tpu.memory_space<vmem>>) dst(%dma_wait3A_133 : memref<64x128xf32, #tpu.memory_space<hbm>>)
    %add3A_138 = arith.constant 96 : i32
    %add3A_139 = arith.addi %mul3A_4, %add3A_138 : i32
    %mul3A_140 = arith.constant 64 : i32
    %mul3A_141 = arith.muli %add3A_139, %mul3A_140 : i32
    %dma_wait3A_142 = arith.constant 0 : i32
    %dma_wait3A_143 = arith.constant 0 : i32
    %dma_wait3A_144 = arith.constant 0 : i32
    %dma_wait3A_145 = arith.constant 0 : i32
    %dma_wait3A_146 = tpu.memref_slice %arg6[%dma_wait3A_142, %dma_wait3A_144, %dma_wait3A_145] : memref<12x64x128xf32, #tpu.memory_space<vmem>> -> memref<1x64x128xf32, #tpu.memory_space<vmem>>
    %dma_wait3A_147 = tpu.memref_squeeze %dma_wait3A_146 : memref<1x64x128xf32, #tpu.memory_space<vmem>> -> memref<64x128xf32, #tpu.memory_space<vmem>>
    %dma_wait3A_148 = arith.constant 0 : i32
    %dma_wait3A_149 = tpu.memref_slice %arg4[%mul3A_141, %dma_wait3A_148] : memref<204800x128xf32, #tpu.memory_space<hbm>> -> memref<64x128xf32, #tpu.memory_space<hbm>>
    %dma_wait3A_150 = tpu.memref_slice %arg9[%dma_wait3A_143] : memref<12x!tpu.dma_semaphore, #tpu.memory_space<semaphore_mem>> -> memref<1x!tpu.dma_semaphore, #tpu.memory_space<semaphore_mem>>
    %dma_wait3A_151 = tpu.memref_squeeze %dma_wait3A_150 : memref<1x!tpu.dma_semaphore, #tpu.memory_space<semaphore_mem>> -> memref<!tpu.dma_semaphore, #tpu.memory_space<semaphore_mem>>
    %dma_wait3A_152 = arith.constant 0 : i32
    %dma_wait3A_153 = tpu.memref_slice %arg4[%mul3A_141, %dma_wait3A_152] : memref<204800x128xf32, #tpu.memory_space<hbm>> -> memref<64x128xf32, #tpu.memory_space<hbm>>
    %dma_wait3A_154 = arith.constant 0 : i32
    %dma_wait3A_155 = arith.constant 0 : i32
    %dma_wait3A_156 = tpu.memref_slice %arg6[%dma_wait3A_142, %dma_wait3A_154, %dma_wait3A_155] : memref<12x64x128xf32, #tpu.memory_space<vmem>> -> memref<1x64x128xf32, #tpu.memory_space<vmem>>
    %dma_wait3A_157 = tpu.memref_squeeze %dma_wait3A_156 : memref<1x64x128xf32, #tpu.memory_space<vmem>> -> memref<64x128xf32, #tpu.memory_space<vmem>>
    tpu.wait_dma2 semaphore(%dma_wait3A_151 : memref<!tpu.dma_semaphore, #tpu.memory_space<semaphore_mem>>) src(%dma_wait3A_157 : memref<64x128xf32, #tpu.memory_space<vmem>>) dst(%dma_wait3A_153 : memref<64x128xf32, #tpu.memory_space<hbm>>)
    %add3A_158 = arith.constant 97 : i32
    %add3A_159 = arith.addi %mul3A_4, %add3A_158 : i32
    %mul3A_160 = arith.constant 64 : i32
    %mul3A_161 = arith.muli %add3A_159, %mul3A_160 : i32
    %dma_wait3A_162 = arith.constant 1 : i32
    %dma_wait3A_163 = arith.constant 1 : i32
    %dma_wait3A_164 = arith.constant 0 : i32
    %dma_wait3A_165 = arith.constant 0 : i32
    %dma_wait3A_166 = tpu.memref_slice %arg6[%dma_wait3A_162, %dma_wait3A_164, %dma_wait3A_165] : memref<12x64x128xf32, #tpu.memory_space<vmem>> -> memref<1x64x128xf32, #tpu.memory_space<vmem>>
    %dma_wait3A_167 = tpu.memref_squeeze %dma_wait3A_166 : memref<1x64x128xf32, #tpu.memory_space<vmem>> -> memref<64x128xf32, #tpu.memory_space<vmem>>
    %dma_wait3A_168 = arith.constant 0 : i32
    %dma_wait3A_169 = tpu.memref_slice %arg4[%mul3A_161, %dma_wait3A_168] : memref<204800x128xf32, #tpu.memory_space<hbm>> -> memref<64x128xf32, #tpu.memory_space<hbm>>
    %dma_wait3A_170 = tpu.memref_slice %arg9[%dma_wait3A_163] : memref<12x!tpu.dma_semaphore, #tpu.memory_space<semaphore_mem>> -> memref<1x!tpu.dma_semaphore, #tpu.memory_space<semaphore_mem>>
    %dma_wait3A_171 = tpu.memref_squeeze %dma_wait3A_170 : memref<1x!tpu.dma_semaphore, #tpu.memory_space<semaphore_mem>> -> memref<!tpu.dma_semaphore, #tpu.memory_space<semaphore_mem>>
    %dma_wait3A_172 = arith.constant 0 : i32
    %dma_wait3A_173 = tpu.memref_slice %arg4[%mul3A_161, %dma_wait3A_172] : memref<204800x128xf32, #tpu.memory_space<hbm>> -> memref<64x128xf32, #tpu.memory_space<hbm>>
    %dma_wait3A_174 = arith.constant 0 : i32
    %dma_wait3A_175 = arith.constant 0 : i32
    %dma_wait3A_176 = tpu.memref_slice %arg6[%dma_wait3A_162, %dma_wait3A_174, %dma_wait3A_175] : memref<12x64x128xf32, #tpu.memory_space<vmem>> -> memref<1x64x128xf32, #tpu.memory_space<vmem>>
    %dma_wait3A_177 = tpu.memref_squeeze %dma_wait3A_176 : memref<1x64x128xf32, #tpu.memory_space<vmem>> -> memref<64x128xf32, #tpu.memory_space<vmem>>
    tpu.wait_dma2 semaphore(%dma_wait3A_171 : memref<!tpu.dma_semaphore, #tpu.memory_space<semaphore_mem>>) src(%dma_wait3A_177 : memref<64x128xf32, #tpu.memory_space<vmem>>) dst(%dma_wait3A_173 : memref<64x128xf32, #tpu.memory_space<hbm>>)
    %add3A_178 = arith.constant 98 : i32
    %add3A_179 = arith.addi %mul3A_4, %add3A_178 : i32
    %mul3A_180 = arith.constant 64 : i32
    %mul3A_181 = arith.muli %add3A_179, %mul3A_180 : i32
    %dma_wait3A_182 = arith.constant 2 : i32
    %dma_wait3A_183 = arith.constant 2 : i32
    %dma_wait3A_184 = arith.constant 0 : i32
    %dma_wait3A_185 = arith.constant 0 : i32
    %dma_wait3A_186 = tpu.memref_slice %arg6[%dma_wait3A_182, %dma_wait3A_184, %dma_wait3A_185] : memref<12x64x128xf32, #tpu.memory_space<vmem>> -> memref<1x64x128xf32, #tpu.memory_space<vmem>>
    %dma_wait3A_187 = tpu.memref_squeeze %dma_wait3A_186 : memref<1x64x128xf32, #tpu.memory_space<vmem>> -> memref<64x128xf32, #tpu.memory_space<vmem>>
    %dma_wait3A_188 = arith.constant 0 : i32
    %dma_wait3A_189 = tpu.memref_slice %arg4[%mul3A_181, %dma_wait3A_188] : memref<204800x128xf32, #tpu.memory_space<hbm>> -> memref<64x128xf32, #tpu.memory_space<hbm>>
    %dma_wait3A_190 = tpu.memref_slice %arg9[%dma_wait3A_183] : memref<12x!tpu.dma_semaphore, #tpu.memory_space<semaphore_mem>> -> memref<1x!tpu.dma_semaphore, #tpu.memory_space<semaphore_mem>>
    %dma_wait3A_191 = tpu.memref_squeeze %dma_wait3A_190 : memref<1x!tpu.dma_semaphore, #tpu.memory_space<semaphore_mem>> -> memref<!tpu.dma_semaphore, #tpu.memory_space<semaphore_mem>>
    %dma_wait3A_192 = arith.constant 0 : i32
    %dma_wait3A_193 = tpu.memref_slice %arg4[%mul3A_181, %dma_wait3A_192] : memref<204800x128xf32, #tpu.memory_space<hbm>> -> memref<64x128xf32, #tpu.memory_space<hbm>>
    %dma_wait3A_194 = arith.constant 0 : i32
    %dma_wait3A_195 = arith.constant 0 : i32
    %dma_wait3A_196 = tpu.memref_slice %arg6[%dma_wait3A_182, %dma_wait3A_194, %dma_wait3A_195] : memref<12x64x128xf32, #tpu.memory_space<vmem>> -> memref<1x64x128xf32, #tpu.memory_space<vmem>>
    %dma_wait3A_197 = tpu.memref_squeeze %dma_wait3A_196 : memref<1x64x128xf32, #tpu.memory_space<vmem>> -> memref<64x128xf32, #tpu.memory_space<vmem>>
    tpu.wait_dma2 semaphore(%dma_wait3A_191 : memref<!tpu.dma_semaphore, #tpu.memory_space<semaphore_mem>>) src(%dma_wait3A_197 : memref<64x128xf32, #tpu.memory_space<vmem>>) dst(%dma_wait3A_193 : memref<64x128xf32, #tpu.memory_space<hbm>>)
    %add3A_198 = arith.constant 99 : i32
    %add3A_199 = arith.addi %mul3A_4, %add3A_198 : i32
    %mul3A_200 = arith.constant 64 : i32
    %mul3A_201 = arith.muli %add3A_199, %mul3A_200 : i32
    %dma_wait3A_202 = arith.constant 3 : i32
    %dma_wait3A_203 = arith.constant 3 : i32
    %dma_wait3A_204 = arith.constant 0 : i32
    %dma_wait3A_205 = arith.constant 0 : i32
    %dma_wait3A_206 = tpu.memref_slice %arg6[%dma_wait3A_202, %dma_wait3A_204, %dma_wait3A_205] : memref<12x64x128xf32, #tpu.memory_space<vmem>> -> memref<1x64x128xf32, #tpu.memory_space<vmem>>
    %dma_wait3A_207 = tpu.memref_squeeze %dma_wait3A_206 : memref<1x64x128xf32, #tpu.memory_space<vmem>> -> memref<64x128xf32, #tpu.memory_space<vmem>>
    %dma_wait3A_208 = arith.constant 0 : i32
    %dma_wait3A_209 = tpu.memref_slice %arg4[%mul3A_201, %dma_wait3A_208] : memref<204800x128xf32, #tpu.memory_space<hbm>> -> memref<64x128xf32, #tpu.memory_space<hbm>>
    %dma_wait3A_210 = tpu.memref_slice %arg9[%dma_wait3A_203] : memref<12x!tpu.dma_semaphore, #tpu.memory_space<semaphore_mem>> -> memref<1x!tpu.dma_semaphore, #tpu.memory_space<semaphore_mem>>
    %dma_wait3A_211 = tpu.memref_squeeze %dma_wait3A_210 : memref<1x!tpu.dma_semaphore, #tpu.memory_space<semaphore_mem>> -> memref<!tpu.dma_semaphore, #tpu.memory_space<semaphore_mem>>
    %dma_wait3A_212 = arith.constant 0 : i32
    %dma_wait3A_213 = tpu.memref_slice %arg4[%mul3A_201, %dma_wait3A_212] : memref<204800x128xf32, #tpu.memory_space<hbm>> -> memref<64x128xf32, #tpu.memory_space<hbm>>
    %dma_wait3A_214 = arith.constant 0 : i32
    %dma_wait3A_215 = arith.constant 0 : i32
    %dma_wait3A_216 = tpu.memref_slice %arg6[%dma_wait3A_202, %dma_wait3A_214, %dma_wait3A_215] : memref<12x64x128xf32, #tpu.memory_space<vmem>> -> memref<1x64x128xf32, #tpu.memory_space<vmem>>
    %dma_wait3A_217 = tpu.memref_squeeze %dma_wait3A_216 : memref<1x64x128xf32, #tpu.memory_space<vmem>> -> memref<64x128xf32, #tpu.memory_space<vmem>>
    tpu.wait_dma2 semaphore(%dma_wait3A_211 : memref<!tpu.dma_semaphore, #tpu.memory_space<semaphore_mem>>) src(%dma_wait3A_217 : memref<64x128xf32, #tpu.memory_space<vmem>>) dst(%dma_wait3A_213 : memref<64x128xf32, #tpu.memory_space<hbm>>)
    return
  }
}

</mosaic_0001>

<sc_bundles>
// kernel: kernel.3.cloned.1.call-start
scs
__scs_entry_jumppad:
0x0: {  	(pc) =	sbr.rel $0x88, $3  }
0x1: {  	(tag) =	ssettag $0x0;
	lr =	simm.s32 $0x1  }
0x2: {  	[smem:$0x3F9F] =	sst lr;
	_ =	strace $0xD0000000  }
0x3: {  	_ = 	snop  }
0x4: {  	_ = 	snop  }
0x5: {  	_ = 	snop  }
0x6: {  	_ = 	snop  }
0x7: {  	_ = 	snop  }
__scs_overlays_trampoline_lowered:
0x8: {  	[smem:$0x3FAE] =	sst s0  }
0x9: {  	[smem:$0x3FAF] =	sst s1  }
0xa: {  	[smem:$0x3FB0] =	sst s2  }
0xb: {  	[smem:$0x3FB1] =	sst s3  }
0xc: {  	[smem:$0x3FB2] =	sst s4  }
0xd: {  	[smem:$0x3FB3] =	sst s5  }
0xe: {  	[smem:$0x3FB4] =	sst s6  }
0xf: {  	[smem:$0x3FB5] =	sst s7  }
0x10: {  	[smem:$0x3FB6] =	sst s8  }
0x11: {  	[smem:$0x3FB7] =	sst s9;
	s0 =	simm.s32 @!p0 $0x0  }
0x12: {  	s1 =	sld [smem:$0x3F9D];
	s0 =	simm.s32 @p0 $0x1  }
0x13: {  	[smem:$0x3FB8] =	sst s0;
	s0 =	simm.s32 @!p1 $0x0  }
0x14: {  	s2 =	sld [smem:$0x3F9C];
	s0 =	simm.s32 @p1 $0x1  }
0x15: {  	[smem:$0x3FB9] =	sst s0;
	s0 =	simm.s32 @!p2 $0x0  }
0x16: {  	s3 =	sld [smem:$0x3FDB];
	s0 =	simm.s32 @p2 $0x1  }
0x17: {  	s4 =	simm.s32 $0x1BF5;
	[smem:$0x3FBB] =	sst s0  }
0x18: {  	s0 =	sld [smem:$0x3F9E];
	_ =	swait.ge [sflag:s4], $0x0  }
0x19: {  	s7 =	sld [smem:$0x3F9F]  }
0x1a: {  	s8 =	sadd.s32 $0xFFFFE003, lr  }
0x1b: {  	s9 =	sadd.s32 $0xFFFFFEF7, lr;
	s5 =	simm.s32 $0xFFFFFFFF;
	p2 =	slt.u32 s8, $0xFFFFF086  }
0x1c: {  	p1 =	slt.u32 s9, $0xF7A;
	s5 =	simm.s32 @!p2 $0x0  }
0x1d: {  	s5 =	simm.s32 @p1 $0x1;
	p0 =	seq.s32 s7, s2  }
0x1e: {  	s7 =	smul.u32 @!p0 $0xF7A, s2;
	p2 =	seq.s32 @!p0 s5, $0x0  }
0x1f: {  	s9 =	smul.u32 $0xF7A, s1;
	s8 =	simm.s32 @!p0 $0x1BF5;
	p2 =	por !p2, p0  }
0x20: {  	[sflag:s8] =	ssyncset.s32 @!p0 $0xFFFFF086;
	s6 =	sadd.s32 @!p0 s3, s7;
	s7 =	simm.s32 @!p0 $0x108  }
0x21: {  	s3 =	sadd.s32 s3, s9;
	s6 =	sadd.s32 @!p0 $0x88, s6;
	s7 =	simm.s32 @p2 $0x1082  }
0x22: {  	[simem:s7], [sflag:s8] =	dma.local @!p0 [hbm:s6], $0xF7A  }
0x23: {  	s9 =	sor.u32 $0xD0000000, s2;
	s6 =	simm.s32 $0x108;
	_ =	swait.ge @!p0 [sflag:s8], $0x0  }
0x24: {  	s3 =	sadd.s32 $0x88, s3;
	s6 =	simm.s32 @!p1 $0x1082;
	[sflag:s4] =	ssyncset.s32 $0xFFFFF086  }
0x25: {  	[simem:s6], [sflag:s4] =	dma.local [hbm:s3], $0xF7A  }
0x26: {  	[smem:$0x3F9F] =	sst s1;
	(tag) =	ssettag s2;
	_ =	strace s9  }
0x27: {  	s1 =	sld [smem:$0x3FAF]  }
0x28: {  	s2 =	sld [smem:$0x3FB0]  }
0x29: {  	s4 =	sld [smem:$0x3FB2]  }
0x2a: {  	p0 =	seq.s32 s5, $0x0;
	s5 =	sld [smem:$0x3FB3]  }
0x2b: {  	s6 =	sld [smem:$0x3FB4]  }
0x2c: {  	s7 =	sld [smem:$0x3FB5]  }
0x2d: {  	s3 =	simm.s32 $0x108;
	s8 =	sld [smem:$0x3FB6]  }
0x2e: {  	s3 =	simm.s32 @!p0 $0x1082;
	s9 =	sld [smem:$0x3FB7]  }
0x2f: {  	lr =	sadd.s32 s0, s3;
	s0 =	sld [smem:$0x3FAE]  }
0x30: {  	s3 =	sld [smem:$0x3FB1]  }
0x31: {  	[smem:$0x3FBA] =	sst s10  }
0x32: {  	s10 =	sld [smem:$0x3FB8];
	_ =	sdelay $0x3  }
0x33: {  	p0 =	seq.s32 s10, $0x1;
	s10 =	sld [smem:$0x3FBA];
	_ =	sdelay $0x3  }
0x34: {  	[smem:$0x3FBA] =	sst s10  }
0x35: {  	s10 =	sld [smem:$0x3FB9];
	_ =	sdelay $0x3  }
0x36: {  	p1 =	seq.s32 s10, $0x1;
	s10 =	sld [smem:$0x3FBA];
	_ =	sdelay $0x3  }
0x37: {  	[smem:$0x3FBA] =	sst s10  }
0x38: {  	s10 =	sld [smem:$0x3FBB]  }
0x39: {  	_ = 	snop;
	(pc) =	sbr.ind lr, $3  }
0x3a: {  	_ = 	snop  }
0x3b: {  	_ = 	snop  }
0x3c: {  	p2 =	seq.s32 s10, $0x1;
	s10 =	sld [smem:$0x3FBA]  }
0x3d: {  	_ =	shalt  }
0x3e: {  	_ =	shalt  }
0x3f: {  	_ =	shalt  }
0x40: {  	_ =	shalt  }
0x41: {  	_ =	shalt  }
0x42: {  	_ =	shalt  }
0x43: {  	_ =	shalt  }
0x44: {  	_ =	shalt  }
0x45: {  	_ =	shalt  }
0x46: {  	_ =	shalt  }
0x47: {  	_ =	shalt  }
0x48: {  	_ =	shalt  }
0x49: {  	_ =	shalt  }
0x4a: {  	_ =	shalt  }
0x4b: {  	_ =	shalt  }
0x4c: {  	_ =	shalt  }
0x4d: {  	_ =	shalt  }
0x4e: {  	_ =	shalt  }
0x4f: {  	_ =	shalt  }
0x50: {  	_ =	shalt  }
0x51: {  	_ =	shalt  }
0x52: {  	_ =	shalt  }
0x53: {  	_ =	shalt  }
0x54: {  	_ =	shalt  }
0x55: {  	_ =	shalt  }
0x56: {  	_ =	shalt  }
0x57: {  	_ =	shalt  }
0x58: {  	_ =	shalt  }
0x59: {  	_ =	shalt  }
0x5a: {  	_ =	shalt  }
0x5b: {  	_ =	shalt  }
0x5c: {  	_ =	shalt  }
0x5d: {  	_ =	shalt  }
0x5e: {  	_ =	shalt  }
0x5f: {  	_ =	shalt  }
0x60: {  	_ =	shalt  }
0x61: {  	_ =	shalt  }
0x62: {  	_ =	shalt  }
0x63: {  	_ =	shalt  }
0x64: {  	_ =	shalt  }
0x65: {  	_ =	shalt  }
0x66: {  	_ =	shalt  }
0x67: {  	_ =	shalt  }
0x68: {  	_ =	shalt  }
0x69: {  	_ =	shalt  }
0x6a: {  	_ =	shalt  }
0x6b: {  	_ =	shalt  }
0x6c: {  	_ =	shalt  }
0x6d: {  	_ =	shalt  }
0x6e: {  	_ =	shalt  }
0x6f: {  	_ =	shalt  }
0x70: {  	_ =	shalt  }
0x71: {  	_ =	shalt  }
0x72: {  	_ =	shalt  }
0x73: {  	_ =	shalt  }
0x74: {  	_ =	shalt  }
0x75: {  	_ =	shalt  }
0x76: {  	_ =	shalt  }
0x77: {  	_ =	shalt  }
0x78: {  	_ =	shalt  }
0x79: {  	_ =	shalt  }
0x7a: {  	_ =	shalt  }
0x7b: {  	_ =	shalt  }
0x7c: {  	_ =	shalt  }
0x7d: {  	_ =	shalt  }
0x7e: {  	_ =	shalt  }
0x7f: {  	_ =	shalt  }
0x80: {  	_ =	shalt  }
0x81: {  	_ =	shalt  }
0x82: {  	_ =	shalt  }
0x83: {  	_ =	shalt  }
0x84: {  	_ =	shalt  }
0x85: {  	_ =	shalt  }
0x86: {  	_ =	shalt  }
0x87: {  	_ =	shalt  }
.Lfunc_end0:
.L_simem_size_0:
called_computation_lowered:
.L_overlay_start_0:
0x88: {  	s2 =	sld [smem:$0x3FD9]  }
0x89: {  	s3 =	sld [smem:$0x3FFE];
	_ =	sdelay $0x1  }
0x8a: {  	s1 =	srdreg.scid  }
0x8b: {  	s0 =	sand.u32 $0x1, s1  }
0x8c: {  	s17 =	sshll.u32 s0, $0xA;
	s2 =	sadd.s32 s3, s2  }
0x8d: {  	s2 =	sadd.s32 s2, s17  }
0x8e: {  	[smem:$0x3FC6] =	sst s2  }
0x8f: {  	_ = 	snop  }
0x90: {  	s2 =	sld [smem:$0x3FC8]  }
0x91: {  	s18 =	sld [smem:$0x3FD0];
	(tm) =	ssettm $0x1  }
0x92: {  	s4 =	sld [smem:$0x3FFB];
	_ =	sdelay $0x3  }
0x93: {  	_ =	strace s4  }
0x94: {  	s4 =	sld [smem:$0x3FFC];
	_ =	sdelay $0x3  }
0x95: {  	_ =	strace s4  }
0x96: {  	s4 =	sld [smem:$0x3FFD];
	_ =	sdelay $0x3  }
0x97: {  	_ =	strace s4  }
0x98: {  	_ =	strace $0x8FFFFFFF  }
0x99: {  	s19 =	sld [smem:$0x3FDB];
	_ =	sdelay $0x1  }
0x9a: {  	s5 =	simm.s32 $_scs_section_size  }
0x9b: {  	s6 =	simm.s32 $_size__tile_overlayer_lowered;
	s7 =	simm.s32 $_tile_overlayer_lowered  }
0x9c: {  	s22 =	simm.s32 $0x1BFF;
	s21 =	sshll.u32 s7, $0x1;
	s4 =	sadd.s32 s5, s19  }
0x9d: {  	s8 =	simm.s32 $0x0;
	s20 =	sshll.u32 s6, $0x1;
	s6 =	sadd.s32 s21, s4  }
0x9e: {  	[timem:s8], [sflag:s22] =	dma.local [hbm:s6], s20  }
0x9f: {  	_ =	swait.ge [sflag:s22], s20  }
0xa0: {  	s5 =	ssub.s32 $0x0, s20;
	[sflag:s22] =	ssyncset.done $0x0  }
0xa1: {  	[sflag:s22] =	ssyncadd.s32 s5;
	_ =	sdelay $0x1  }
0xa2: {  	s23 =	simm.s32 $0x1B8B  }
0xa3: {  	_ =	swait.ge [sflag:s23], $0x1  }
0xa4: {  	[sflag:s23] =	ssyncset.done $0x0  }
0xa5: {  	s25 =	simm.s32 $0x1B8E;
	s24 =	sld [smem:$0x3FFE];
	[sflag:s23] =	ssyncadd.s32 $0xFFFFFFFF  }
0xa6: {  	s26 =	simm.s32 $execute0_lowered;
	[smem:$0x3FD2] =	sst s25  }
0xa7: {  	s6 =	sshll.u32 s26, $0x1;
	_ =	strace $0x80000046;
	[dreg:$0x1] =	wrdreg $0xFFFFFFFF  }
0xa8: {  	s28 =	simm.s32 $_size_execute0_lowered;
	s4 =	sadd.s32 s4, s6;
	[dreg:$0x0] =	wrdreg $0x0  }
0xa9: {  	s6 =	sshll.u32 s28, $0x1;
	[dreg:$0x2] =	wrdreg s4  }
0xaa: {  	[dreg:$0x3] =	wrdreg s6  }
0xab: {  	[dreg:$0x4] =	wrdreg $0xC0  }
0xac: {  	_ =	task [dreg:s8], $0x5FFFF  }
0xad: {  	[dreg:$0x1] =	wrdreg $0xFFFFFFFF  }
0xae: {  	[dreg:$0x0] =	wrdreg $0x60  }
0xaf: {  	[dreg:$0x2] =	wrdreg s24  }
0xb0: {  	[dreg:$0x3] =	wrdreg s2  }
0xb1: {  	[dreg:$0x4] =	wrdreg s18  }
0xb2: {  	[dreg:$0x5] =	wrdreg $0x1B4000  }
0xb3: {  	[dreg:$0x6] =	wrdreg $0x9  }
0xb4: {  	_ =	task.clear_ibuf [dreg:s8], $0x7FFFF;
	_ =	strace $0x90000046  }
0xb5: {  	s29 =	simm.s32 $0x9;
	_ =	strace $0x80000048  }
0xb6: {  	_ =	swait.ge [sflag:s29], $0x1  }
0xb7: {  	[sflag:s29] =	ssyncadd.s32 $0xFFFFFFFF  }
0xb8: {  	_ =	strace $0x90000048  }
0xb9: {  	_ =	sfence  }
0xba: {  	s30 =	sld [smem:$0x0];
	_ =	sdelay $0x2  }
0xbb: {  	s31 =	sshll.u32 s1, $0xD;
	s1 =	sshrl.u32 s1, $0x2  }
0xbc: {  	s3 =	sand.u32 $0x4000, s31;
	s1 =	sadd.s32 s1, s30  }
0xbd: {  	s0 =	sor.u32 s3, s0;
	s1 =	sshll.u32 s1, $0x11  }
0xbe: {  	s0 =	sor.u32 s1, s0  }
0xbf: {  	s0 =	sadd.s32 $0x8F2B, s0  }
0xc0: {  	[sflag:s0] =	ssyncadd.remote.s32 $0x1  }
0xc1: {  	_ =	sfence.sel $0xFFFF  }
0xc2: {  	[dreg:$0x0] =	wrdreg $0xFFFFFFFF;
	(pc) =	sbr.abs _section_cstart, $3  }
0xc3: {  	[dreg:$0x1] =	wrdreg $0xFFFFFFFF  }
0xc4: {  	_ =	task.clear_ibuf [dreg:s8], $0x2FFFF;
	_ =	strace $0x9FFFFFFF  }
0xc5: {  	(tm) =	ssettm $0x7FFFFFFF  }
tec
execute0_lowered:
.L_overlay_start_1:
0x0: {  	(tag) =	ssettag $0x1  }
0x1: {  	s4 =	rddreg [dreg:$0x0]  }
0x2: {  	s5 =	rddreg [dreg:$0x2];
	s1 =	srdreg.scid  }
0x3: {  	s7 =	stileid.u32;
	s2 =	rddreg [dreg:$0x3];
	s3 =	simm.s32 $0x0  }
0x4: {  	s12 =	simm.s32 $0x5400;
	s13 =	simm.s32 $0x100;
	s14 =	simm.s32 $0x7400  }
0x5: {  	s15 =	simm.s32 $0x180;
	s16 =	simm.s32 $0x9400;
	s17 =	simm.s32 $0x200  }
0x6: {  	s18 =	simm.s32 $0xB400;
	s19 =	simm.s32 $0x280;
	s20 =	simm.s32 $0xD400  }
0x7: {  	s21 =	simm.s32 $0x17;
	s22 =	simm.s32 $0x18;
	s23 =	simm.s32 $0xD  }
0x8: {  	s24 =	simm.s32 $0xE;
	s25 =	simm.s32 $0xF;
	s26 =	simm.s32 $0x10  }
0x9: {  	s28 =	simm.s32 $0x0;
	s6 =	sand.u32 $0x1, s1;
	s8 =	sshll.u32 s7, $0x1  }
0xa: {  	[smem:$0x7FF] =	sst s3;
	s10 =	smul.u32 $0x32000, s7;
	p0 =	sne.s32 s7, $0x0  }
0xb: {  	s8 =	sor.u32 s6, s8;
	s9 =	ssub.s32 $0x2, s6;
	s6 =	smul.u32 $0x19000, s6  }
0xc: {  	_ =	strace $0x80000047;
	s8 =	smul.u32 $0x680, s8;
	s31 =	sadd.s32 s10, s5  }
0xd: {  	s7 =	sshrl.u32 @!p0 s2, $0x3;
	s30 =	sshrl.u32 s9, $0x1;
	s6 =	sadd.s32 s6, s31  }
0xe: {  	s4 =	sadd.s32 s8, s4;
	s8 =	ssub.s32 s9, s30;
	s9 =	simm.s32 $0x40  }
0xf: {  	s4 =	sadd.s32 $0x400, s4;
	s5 =	smax.u32 s8, $0x1;
	s8 =	simm.s32 $0x19  }
.LBB2_1:
0x10: {  	s29 =	simm.s32 @!p0 $0x1C19;
	s0 =	rddreg [dreg:$0x1]  }
0x11: {  	[spmem:s7], [sflag:s29] =	dma.local @!p0 [hbm:s0], $0x3E80  }
0x12: {  	s29 =	simm.s32 @!p0 $0x19  }
0x13: {  	_ =	swait.ge @!p0 [sflag:s29], $0x3E80  }
0x14: {  	[sflag:s29] =	ssyncset.done @!p0 $0x0  }
0x15: {  	[sflag:s29] =	ssyncadd.s32 @!p0 $0xFFFFC180  }
0x16: {  	[tilespmem:s3], [sflag:$0x19] =	stream.linear.gather [hbm4b:s4+s3], $0x3200, $0x38;
	[tilespmem:$0x1D340] =	vst v63  }
0x17: {  	_ =	swait.ge [sflag:s8], $0x3200  }
0x18: {  	[sflag:s8] =	ssyncset.done $0x0  }
0x19: {  	[sflag:s8] =	ssyncadd.s32 $0xFFFFCE00  }
0x1a: {  	s10 =	simm.s32 $0x3400;
	[bflag:$0x0] =	sbarrier.arrive $0xFFFF  }
0x1b: {  	[tilespmem:s10], [sflag:$0x1] =	stream.indirect.gather [spmem:s2], $0x80, s3, s9, $0xb8;
	[tilespmem:$0x1D340] =	vst v63  }
0x1c: {  	s11 =	simm.s32 $0x80  }
0x1d: {  	[tilespmem:s12], [sflag:$0x2] =	stream.indirect.gather [spmem:s2], $0x80, s11, s9, $0xb8;
	[tilespmem:$0x1D340] =	vst v63  }
0x1e: {  	_ = 	snop  }
0x1f: {  	[tilespmem:s14], [sflag:$0x3] =	stream.indirect.gather [spmem:s2], $0x80, s13, s9, $0xb8;
	[tilespmem:$0x1D340] =	vst v63  }
0x20: {  	_ = 	snop  }
0x21: {  	[tilespmem:s16], [sflag:$0x4] =	stream.indirect.gather [spmem:s2], $0x80, s15, s9, $0xb8;
	[tilespmem:$0x1D340] =	vst v63  }
0x22: {  	_ = 	snop  }
0x23: {  	[tilespmem:s18], [sflag:$0x5] =	stream.indirect.gather [spmem:s2], $0x80, s17, s9, $0xb8;
	[tilespmem:$0x1D340] =	vst v63  }
0x24: {  	s30 =	smov.u32 s6;
	s31 =	simm.s32 $0x0;
	s29 =	simm.s32 $0x300  }
0x25: {  	[tilespmem:s20], [sflag:$0x6] =	stream.indirect.gather [spmem:s2], $0x80, s19, s9, $0xb8;
	[tilespmem:$0x1D340] =	vst v63  }
.LBB2_2:
0x26: {  	s1 =	smul.u32 $0xAB, s31;
	_ =	sdelay $0x1  }
0x27: {  	p1 =	slt.u32 s31, $0x6;
	s1 =	sshrl.u32 s1, $0xB  }
0x28: {  	s0 =	sadd.s32 @!p1 $0xFFFFFFFA, s31;
	s1 =	sand.u32 $0x1F, s1  }
0x29: {  	s11 =	sand.u32 @!p1 $0xFF, s0;
	s1 =	smul.u32 $0xC, s1  }
0x2a: {  	s11 =	smul.u32 @!p1 $0xAB, s11  }
0x2b: {  	s1 =	ssub.s32 s31, s1  }
0x2c: {  	s11 =	sshrl.u32 @!p1 s11, $0xB;
	s1 =	sand.u32 $0xFF, s1  }
0x2d: {  	s11 =	smul.u32 @!p1 $0xC, s11;
	s10 =	sadd.s32 $0x1, s1  }
0x2e: {  	_ =	swait.ge [sflag:s10], $0x2000  }
0x2f: {  	s0 =	ssub.s32 @!p1 s0, s11;
	[sflag:s10] =	ssyncset.done $0x0  }
0x30: {  	s0 =	sand.u32 @!p1 $0xFF, s0;
	[sflag:s10] =	ssyncadd.s32 $0xFFFFE000;
	s10 =	sshll.u32 s1, $0xD  }
0x31: {  	s0 =	sadd.s32 @!p1 $0xD, s0;
	s1 =	sadd.s32 $0xD, s1;
	s10 =	sadd.s32 $0x3400, s10  }
0x32: {  	[hbm4b:s30+s3] =	stream.linear.scatter [tilespmem:s10], [sflag:s1], $0x2000, $0x38;
	[tilespmem:$0x1D340] =	vst v63  }
0x33: {  	p2 =	sgt.u32 @!p1 s31, $0x5D;
	_ =	swait.ge @!p1 [sflag:s0], $0x2000  }
0x34: {  	p2 =	por p1, !p2;
	[sflag:s0] =	ssyncset.done @!p1 $0x0  }
0x35: {  	[sflag:s0] =	ssyncadd.s32 @!p1 $0xFFFFE000;
	s0 =	sadd.s32 @p2 $0x6, s31  }
0x36: {  	s1 =	smul.u32 @p2 $0xAB, s0;
	_ =	sdelay $0x1  }
0x37: {  	s1 =	sshrl.u32 @p2 s1, $0xB  }
0x38: {  	s1 =	sand.u32 @p2 $0x1F, s1  }
0x39: {  	s1 =	smul.u32 @p2 $0xC, s1  }
0x3a: {  	s31 =	sadd.s32 $0x1, s31  }
0x3b: {  	p1 =	sne.s32 s31, $0x64;
	s0 =	ssub.s32 @p2 s0, s1  }
.Ltmp0:
0x3c: {  	s0 =	sand.u32 @p2 $0xFF, s0;
	(pc) =	sbr.rel @p1 .LBB2_2-.Ltmp0, $4  }
0x3d: {  	s1 =	sshll.u32 @p2 s0, $0xD  }
0x3e: {  	s0 =	sadd.s32 @p2 $0x1, s0;
	s1 =	sadd.s32 @p2 $0x3400, s1  }
0x3f: {  	[tilespmem:s1], [sflag:s0] =	stream.indirect.gather @p2 [spmem:s2], $0x80, s29, s9, $0xb8;
	[tilespmem:$0x1D340] =	vst v63  }
0x40: {  	s30 =	sadd.s32 $0x400, s30;
	s29 =	sadd.s32 $0x80, s29  }
0x41: {  	_ =	swait.ge [sflag:s21], $0x2000  }
0x42: {  	[sflag:s21] =	ssyncset.done $0x0  }
0x43: {  	[sflag:s21] =	ssyncadd.s32 $0xFFFFE000  }
0x44: {  	_ =	swait.ge [sflag:s22], $0x2000  }
0x45: {  	[sflag:s22] =	ssyncset.done $0x0  }
0x46: {  	[sflag:s22] =	ssyncadd.s32 $0xFFFFE000  }
0x47: {  	_ =	swait.ge [sflag:s23], $0x2000  }
0x48: {  	[sflag:s23] =	ssyncset.done $0x0  }
0x49: {  	[sflag:s23] =	ssyncadd.s32 $0xFFFFE000  }
0x4a: {  	_ =	swait.ge [sflag:s24], $0x2000  }
0x4b: {  	[sflag:s24] =	ssyncset.done $0x0  }
0x4c: {  	s28 =	sadd.s32 $0x1, s28;
	[sflag:s24] =	ssyncadd.s32 $0xFFFFE000  }
0x4d: {  	p1 =	sne.s32 s28, s5;
	_ =	swait.ge [sflag:s25], $0x2000  }
.Ltmp1:
0x4e: {  	[sflag:s25] =	ssyncset.done $0x0;
	(pc) =	sbr.rel @p1 .LBB2_1-.Ltmp1, $4  }
0x4f: {  	[sflag:s25] =	ssyncadd.s32 $0xFFFFE000  }
0x50: {  	_ =	swait.ge [sflag:s26], $0x2000  }
0x51: {  	[sflag:s26] =	ssyncset.done $0x0  }
0x52: {  	[sflag:s26] =	ssyncadd.s32 $0xFFFFE000  }
0x53: {  	_ =	sfence.sel $0x180000  }
0x54: {  	[bflag:$0x0] =	sbarrier.arrive $0xFFFF  }
0x55: {  	_ =	strace $0x90000047  }
0x56: {  	[bflag:$0x2] =	sbarrier.arrive $0xFFFF  }
0x57: {  	s0 =	rddreg [dreg:$0x4]  }
0x58: {  	s0 =	sadd.s32 @!p0 $0x100000, s0  }
0x59: {  	[sflag:s0] =	ssyncadd.tile.s32 @!p0 $0x1;
	_ =	shalt  }
.Lfunc_end2:
_tile_overlayer_lowered:
.L_overlay_start_2:
0x5a: {  	(tag) =	ssettag $0x2  }
0x5b: {  	s0 =	rddreg [dreg:$0x0];
	s2 =	stileid.u32  }
0x5c: {  	s1 =	rddreg [dreg:$0x1];
	p0 =	sne.s32 s2, $0x0  }
0x5d: {  	s3 =	rddreg [dreg:$0x2];
	[bflag:$0x3] =	sbarrier.arrive $0xFFFF;
	s2 =	simm.s32 @!p0 $0x1C19  }
0x5e: {  	[timem:s3], [sflag:s2] =	dma.local @!p0 [hbm:s0], s1  }
0x5f: {  	s0 =	simm.s32 @!p0 $0x19  }
0x60: {  	_ =	swait.ge @!p0 [sflag:s0], s1  }
0x61: {  	s1 =	ssub.s32 @!p0 $0x0, s1;
	[sflag:s0] =	ssyncset.done @!p0 $0x0  }
0x62: {  	[sflag:s0] =	ssyncadd.s32 @!p0 s1  }
0x63: {  	[bflag:$0x3] =	sbarrier.arrive $0xFFFF  }
0x64: {  	_ =	shalt  }

</sc_bundles>
